<compile_context>
chip_gen: v7x
topology: tpu7x:2x2x1
jax: 0.10.2.dev20260603
libtpu: 0.0.44.dev20260713+nightly
codegen_flags: <defaults>
</compile_context>

<pallas_src>
import functools

import jax
import jax.numpy as jnp
from jax import lax
from jax.experimental import pallas as pl
from jax.experimental.pallas import tpu as pltpu
from jax.experimental.pallas import tpu_sc as plsc

COST_CLASS, COST_BBOX, COST_GIOU = 2.0, 5.0, 2.0
FOCAL_ALPHA = 0.25

BS, NQ, NC, NTGT = 16, 900, 91, 50
LPAD = 64
NW = 32
QH = NQ // 2
ROWS_WORDS = QH * NC
ROWS_BUF = 40960
TOTAL_WORDS = BS * NQ * NC
OUT_WORDS = LPAD * QH


def _sc_gather_body(logits_hbm, labels_hbm, out_hbm, rows_v, out_v, lab_v):
    wid = lax.axis_index("s") * 2 + lax.axis_index("c")
    b = wid // 2
    pltpu.sync_copy(labels_hbm, lab_v)

    start = wid * ROWS_WORDS
    aligned = jnp.minimum((start // 8) * 8, TOTAL_WORDS - ROWS_BUF)
    delta = start - aligned
    pltpu.sync_copy(logits_hbm.at[pl.ds(aligned, ROWS_BUF)], rows_v)

    lane = jnp.arange(16, dtype=jnp.int32)
    labs = [plsc.load_gather(
        lab_v, [jnp.minimum(b * NTGT + c4 * 16 + lane, BS * NTGT - 1)])
        for c4 in range(4)]
    tbase = [(lane + c4 * 16) * QH for c4 in range(4)]

    @plsc.parallel_loop(0, QH, unroll=4)
    def rowfn(i):
        base = delta + i * NC
        for c4 in range(4):
            v = plsc.load_gather(rows_v, [base + labs[c4]])
            plsc.store_scatter(out_v, [tbase[c4] + i], v)

    pltpu.sync_copy(out_v, out_hbm.at[pl.ds(wid * OUT_WORDS, OUT_WORDS)])


@functools.partial(jax.jit, static_argnums=())
def _sc_gather(logits_flat, labels_flat):
    run = pl.kernel(
        _sc_gather_body,
        out_type=jax.ShapeDtypeStruct((NW * OUT_WORDS,), jnp.float32),
        mesh=plsc.VectorSubcoreMesh(core_axis_name="c", subcore_axis_name="s"),
        scratch_types=[
            pltpu.VMEM((ROWS_BUF,), jnp.float32),
            pltpu.VMEM((OUT_WORDS,), jnp.float32),
            pltpu.VMEM((BS * NTGT,), jnp.int32),
        ],
        compiler_params=pltpu.CompilerParams(needs_layout_passes=False),
    )
    return run(logits_flat, labels_flat)


def _half_cost(g, pbk, tbk):
    p = jax.nn.sigmoid(g)
    neg_cost = (1.0 - FOCAL_ALPHA) * (p * p) * (-jnp.log(1.0 - p + 1e-8))
    pos_cost = FOCAL_ALPHA * ((1.0 - p) * (1.0 - p)) * (-jnp.log(p + 1e-8))
    cost_class = pos_cost - neg_cost

    ocx, ocy, ow, oh = pbk
    tcx, tcy, tw, th = tbk

    cost_bbox = (jnp.abs(tcx - ocx) + jnp.abs(tcy - ocy)
                 + jnp.abs(tw - ow) + jnp.abs(th - oh))

    ox1, oy1 = ocx - 0.5 * ow, ocy - 0.5 * oh
    ox2, oy2 = ocx + 0.5 * ow, ocy + 0.5 * oh
    tx1, ty1 = tcx - 0.5 * tw, tcy - 0.5 * th
    tx2, ty2 = tcx + 0.5 * tw, tcy + 0.5 * th

    area1 = (ox2 - ox1) * (oy2 - oy1)
    area2 = (tx2 - tx1) * (ty2 - ty1)
    wx = jnp.maximum(jnp.minimum(ox2, tx2) - jnp.maximum(ox1, tx1), 0.0)
    wy = jnp.maximum(jnp.minimum(oy2, ty2) - jnp.maximum(oy1, ty1), 0.0)
    inter = wx * wy
    union = area2 + area1 - inter
    iou = inter / (union + 1e-9)
    w2x = jnp.maximum(jnp.maximum(ox2, tx2) - jnp.minimum(ox1, tx1), 0.0)
    w2y = jnp.maximum(jnp.maximum(oy2, ty2) - jnp.minimum(oy1, ty1), 0.0)
    area = w2x * w2y
    giou = iou - (area - union) / (area + 1e-9)

    return COST_BBOX * cost_bbox + COST_CLASS * cost_class + COST_GIOU * (-giou)


def _matcher_body(g_ref, pb_ref, tb_ref, idxi_ref, idxj_ref):
    pbt = jnp.transpose(pb_ref[0])
    mins, idxs = [], []
    for h in range(2):
        g = g_ref[h][0:NTGT, :]
        pbk = [pbt[k:k + 1, h * QH:(h + 1) * QH] for k in range(4)]
        tbk = [tb_ref[0][:, k:k + 1] for k in range(4)]
        C = _half_cost(g, pbk, tbk)
        mn = jnp.min(C, axis=1, keepdims=True)
        qio = lax.broadcasted_iota(jnp.int32, (NTGT, QH), 1) + h * QH
        idx = jnp.min(jnp.where(C == mn, qio, NQ), axis=1, keepdims=True)
        mins.append(mn)
        idxs.append(idx)

    idx = jnp.where(mins[1] < mins[0], idxs[1], idxs[0])
    idxi_ref[0] = idx.reshape(1, NTGT).astype(jnp.int32)
    idxj_ref[0] = lax.broadcasted_iota(jnp.int32, (1, NTGT), 1)


def kernel(pred_logits, pred_boxes, tgt_labels, tgt_boxes):
    bs, nq, nc = pred_logits.shape
    ntgt = tgt_labels.shape[1]
    gathered = _sc_gather(pred_logits.reshape(-1), tgt_labels.reshape(-1))
    g3 = gathered.reshape(NW, LPAD, QH)

    idxi, idxj = pl.pallas_call(
        _matcher_body,
        grid=(bs,),
        in_specs=[
            pl.BlockSpec((2, LPAD, QH), lambda b: (b, 0, 0)),
            pl.BlockSpec((1, nq, 4), lambda b: (b, 0, 0)),
            pl.BlockSpec((1, ntgt, 4), lambda b: (b, 0, 0)),
        ],
        out_specs=(
            pl.BlockSpec((1, 1, ntgt), lambda b: (b, 0, 0)),
            pl.BlockSpec((1, 1, ntgt), lambda b: (b, 0, 0)),
        ),
        out_shape=(
            jax.ShapeDtypeStruct((bs, 1, ntgt), jnp.int32),
            jax.ShapeDtypeStruct((bs, 1, ntgt), jnp.int32),
        ),
    )(g3, pred_boxes, tgt_boxes)
    return idxi.reshape(bs, ntgt), idxj.reshape(bs, ntgt)

# --- scband reference (transcript-rebuilt; emitter-appended) ---
"""Pipeline reference for scband-simple-minsum-matcher-63256278335733 (READ-ONLY COPY).

The authoritative reference and input builder live on the scoring server;
editing this copy changes nothing except your own understanding.
"""

import jax, jax.numpy as jnp
import numpy as np

COST_CLASS, COST_BBOX, COST_GIOU = 2.0, 5.0, 2.0
FOCAL_ALPHA, GAMMA = 0.25, 2.0


def box_cxcywh_to_xyxy(b):
    cx, cy, w, h = b[..., 0], b[..., 1], b[..., 2], b[..., 3]
    return jnp.stack([cx - 0.5 * w, cy - 0.5 * h, cx + 0.5 * w, cy + 0.5 * h], axis=-1)


def generalized_box_iou(boxes1, boxes2):
    area1 = (boxes1[:, 2] - boxes1[:, 0]) * (boxes1[:, 3] - boxes1[:, 1])
    area2 = (boxes2[:, 2] - boxes2[:, 0]) * (boxes2[:, 3] - boxes2[:, 1])
    lt = jnp.maximum(boxes1[:, None, :2], boxes2[None, :, :2])
    rb = jnp.minimum(boxes1[:, None, 2:], boxes2[None, :, 2:])
    wh = jnp.clip(rb - lt, 0.0)
    inter = wh[..., 0] * wh[..., 1]
    union = area1[:, None] + area2[None, :] - inter
    iou = inter / (union + 1e-9)
    lt2 = jnp.minimum(boxes1[:, None, :2], boxes2[None, :, :2])
    rb2 = jnp.maximum(boxes1[:, None, 2:], boxes2[None, :, 2:])
    wh2 = jnp.clip(rb2 - lt2, 0.0)
    area = wh2[..., 0] * wh2[..., 1]
    return iou - (area - union) / (area + 1e-9)


def setup_inputs(seed: int = 0) -> dict:
    key = jax.random.key(seed)
    k1, k2, k3, k4 = jax.random.split(key, 4)
    pred_logits = jax.random.normal(k1, (16, 900, 91), dtype=jnp.float32)
    pred_boxes = jax.random.uniform(k2, (16, 900, 4), dtype=jnp.float32)
    tgt_labels = jax.random.randint(k3, (16, 50), 0, 91, dtype=jnp.int32)
    tgt_boxes = jax.random.uniform(k4, (16, 50, 4), dtype=jnp.float32)
    return {"pred_logits": pred_logits, "pred_boxes": pred_boxes, "tgt_labels": tgt_labels, "tgt_boxes": tgt_boxes}


def reference(pred_logits, pred_boxes, tgt_labels, tgt_boxes):
    bs, nq, nc = pred_logits.shape
    ntgt = tgt_labels.shape[1]
    out_prob = jax.nn.sigmoid(pred_logits.reshape(bs * nq, nc))
    tgt_ids = tgt_labels.reshape(-1)
    neg_cost_class = (1.0 - FOCAL_ALPHA) * (out_prob ** GAMMA) * (-jnp.log(1.0 - out_prob + 1e-8))
    pos_cost_class = FOCAL_ALPHA * ((1.0 - out_prob) ** GAMMA) * (-jnp.log(out_prob + 1e-8))
    cost_class = pos_cost_class[:, tgt_ids] - neg_cost_class[:, tgt_ids]
    out_bbox = pred_boxes.reshape(bs * nq, 4)
    tgt_bbox = tgt_boxes.reshape(bs * ntgt, 4)
    cost_bbox = jnp.sum(jnp.abs(out_bbox[:, None, :] - tgt_bbox[None, :, :]), axis=-1)
    cost_giou = -generalized_box_iou(box_cxcywh_to_xyxy(out_bbox), box_cxcywh_to_xyxy(tgt_bbox))
    C = COST_BBOX * cost_bbox + COST_CLASS * cost_class + COST_GIOU * cost_giou
    C4 = C.reshape(bs, nq, bs, ntgt)
    bidx = jnp.arange(bs)
    W = C4[bidx, :, bidx, :]  # [bs, nq, ntgt]: per-image cost block
    idx_i = jnp.argmin(W, axis=1).astype(jnp.int32)  # [bs, ntgt]
    idx_j = jnp.broadcast_to(jnp.arange(ntgt, dtype=jnp.int32), (bs, ntgt))
    return idx_i, idx_j

if __name__ == "__main__":
    import jax
    _d = setup_inputs()
    print(jax.jit(kernel)(*tuple(_d.values())))

</pallas_src>

<mosaic_0001>
#map = affine_map<(d0, d1) -> (0)>
module attributes {stable_mosaic.version = 14 : i64} {
  func.func @_sc_gather_body(%arg0: i32, %arg1: i32, %arg2: memref<1310400xf32, #tpu.memory_space<hbm>>, %arg3: memref<800xi32, #tpu.memory_space<hbm>>, %arg4: memref<921600xf32, #tpu.memory_space<hbm>>, %arg5: memref<40960xf32, #tpu.memory_space<vmem>>, %arg6: memref<28800xf32, #tpu.memory_space<vmem>>, %arg7: memref<800xi32, #tpu.memory_space<vmem>>) attributes {dimension_semantics = [#tpu.dimension_semantics<core_parallel>, #tpu.dimension_semantics<subcore_parallel>], iteration_bounds = array<i64: 2, 16>, scalar_prefetch = 0 : i64, scratch_operands = 3 : i64, tpu.core_type = #tpu.core_type<sc_vector_subcore>, window_params = [{transform_indices = #map}, {transform_indices = #map}, {transform_indices = #map}]} {
    %mul3A = arith.constant 2 : i32
    %mul3A_0 = arith.muli %arg1, %mul3A : i32
    %add3A = arith.addi %mul3A_0, %arg0 : i32
    %jit3A = arith.constant 2 : i32
    %div3A = arith.divsi %add3A, %jit3A : i32
    %sign3A = arith.constant 0 : i32
    %sign3A_1 = arith.cmpi sgt, %add3A, %sign3A : i32
    %sign3A_2 = arith.extui %sign3A_1 : i1 to i32
    %sign3A_3 = arith.constant 0 : i32
    %sign3A_4 = arith.cmpi slt, %add3A, %sign3A_3 : i32
    %sign3A_5 = arith.extui %sign3A_4 : i1 to i32
    %sign3A_6 = arith.subi %sign3A_2, %sign3A_5 : i32
    %sign3A_7 = arith.constant 0 : i32
    %sign3A_8 = arith.cmpi sgt, %jit3A, %sign3A_7 : i32
    %sign3A_9 = arith.extui %sign3A_8 : i1 to i32
    %sign3A_10 = arith.constant 0 : i32
    %sign3A_11 = arith.cmpi slt, %jit3A, %sign3A_10 : i32
    %sign3A_12 = arith.extui %sign3A_11 : i1 to i32
    %sign3A_13 = arith.subi %sign3A_9, %sign3A_12 : i32
    %ne3A = arith.cmpi ne, %sign3A_6, %sign3A_13 : i32
    %rem3A = arith.remsi %add3A, %jit3A : i32
    %ne3A_14 = arith.constant 0 : i32
    %ne3A_15 = arith.cmpi ne, %rem3A, %ne3A_14 : i32
    %and3A = arith.andi %ne3A, %ne3A_15 : i1
    %sub3A = arith.constant 1 : i32
    %sub3A_16 = arith.subi %div3A, %sub3A : i32
    %select_n3A = arith.select %and3A, %sub3A_16, %div3A : i32
    "tpu.region"() ({
      %run_scoped3A = tpu.sem_alloc : memref<!tpu.dma_semaphore, #tpu.memory_space<semaphore_mem>>
      tpu.enqueue_dma source(%arg3 : memref<800xi32, #tpu.memory_space<hbm>>) target(%arg7 : memref<800xi32, #tpu.memory_space<vmem>>) target_semaphore(%run_scoped3A : memref<!tpu.dma_semaphore, #tpu.memory_space<semaphore_mem>>)
      tpu.wait_dma2 semaphore(%run_scoped3A : memref<!tpu.dma_semaphore, #tpu.memory_space<semaphore_mem>>) src(%arg3 : memref<800xi32, #tpu.memory_space<hbm>>) dst(%arg7 : memref<800xi32, #tpu.memory_space<vmem>>)
      tpu.yield
    }) : () -> ()
    %mul3A_17 = arith.constant 40950 : i32
    %mul3A_18 = arith.muli %add3A, %mul3A_17 : i32
    %jit3A_19 = arith.constant 8 : i32
    %div3A_20 = arith.divsi %mul3A_18, %jit3A_19 : i32
    %sign3A_21 = arith.constant 0 : i32
    %sign3A_22 = arith.cmpi sgt, %mul3A_18, %sign3A_21 : i32
    %sign3A_23 = arith.extui %sign3A_22 : i1 to i32
    %sign3A_24 = arith.constant 0 : i32
    %sign3A_25 = arith.cmpi slt, %mul3A_18, %sign3A_24 : i32
    %sign3A_26 = arith.extui %sign3A_25 : i1 to i32
    %sign3A_27 = arith.subi %sign3A_23, %sign3A_26 : i32
    %sign3A_28 = arith.constant 0 : i32
    %sign3A_29 = arith.cmpi sgt, %jit3A_19, %sign3A_28 : i32
    %sign3A_30 = arith.extui %sign3A_29 : i1 to i32
    %sign3A_31 = arith.constant 0 : i32
    %sign3A_32 = arith.cmpi slt, %jit3A_19, %sign3A_31 : i32
    %sign3A_33 = arith.extui %sign3A_32 : i1 to i32
    %sign3A_34 = arith.subi %sign3A_30, %sign3A_33 : i32
    %ne3A_35 = arith.cmpi ne, %sign3A_27, %sign3A_34 : i32
    %rem3A_36 = arith.remsi %mul3A_18, %jit3A_19 : i32
    %ne3A_37 = arith.constant 0 : i32
    %ne3A_38 = arith.cmpi ne, %rem3A_36, %ne3A_37 : i32
    %and3A_39 = arith.andi %ne3A_35, %ne3A_38 : i1
    %sub3A_40 = arith.constant 1 : i32
    %sub3A_41 = arith.subi %div3A_20, %sub3A_40 : i32
    %select_n3A_42 = arith.select %and3A_39, %sub3A_41, %div3A_20 : i32
    %mul3A_43 = arith.constant 8 : i32
    %mul3A_44 = arith.muli %select_n3A_42, %mul3A_43 : i32
    %min3A = arith.constant 1269440 : i32
    %min3A_45 = arith.minsi %mul3A_44, %min3A : i32
    %sub3A_46 = arith.subi %mul3A_18, %min3A_45 : i32
    "tpu.region"() ({
      %run_scoped3A = tpu.sem_alloc : memref<!tpu.dma_semaphore, #tpu.memory_space<semaphore_mem>>
      %dma_start3A = tpu.memref_slice %arg2[%min3A_45] : memref<1310400xf32, #tpu.memory_space<hbm>> -> memref<40960xf32, #tpu.memory_space<hbm>>
      %dma_start3A_114 = tpu.memref_slice %arg2[%min3A_45] : memref<1310400xf32, #tpu.memory_space<hbm>> -> memref<40960xf32, #tpu.memory_space<hbm>>
      tpu.enqueue_dma source(%dma_start3A_114 : memref<40960xf32, #tpu.memory_space<hbm>>) target(%arg5 : memref<40960xf32, #tpu.memory_space<vmem>>) target_semaphore(%run_scoped3A : memref<!tpu.dma_semaphore, #tpu.memory_space<semaphore_mem>>)
      %dma_wait3A = tpu.memref_slice %arg2[%min3A_45] : memref<1310400xf32, #tpu.memory_space<hbm>> -> memref<40960xf32, #tpu.memory_space<hbm>>
      %dma_wait3A_115 = tpu.memref_slice %arg2[%min3A_45] : memref<1310400xf32, #tpu.memory_space<hbm>> -> memref<40960xf32, #tpu.memory_space<hbm>>
      tpu.wait_dma2 semaphore(%run_scoped3A : memref<!tpu.dma_semaphore, #tpu.memory_space<semaphore_mem>>) src(%dma_wait3A_115 : memref<40960xf32, #tpu.memory_space<hbm>>) dst(%arg5 : memref<40960xf32, #tpu.memory_space<vmem>>)
      tpu.yield
    }) : () -> ()
    %iota3A = tpu.iota {dimensions = array<i32: 0>} : vector<16xi32>
    %mul3A_47 = arith.constant 50 : i32
    %mul3A_48 = arith.muli %select_n3A, %mul3A_47 : i32
    %add3A_49 = arith.constant 0 : i32
    %add3A_50 = arith.addi %mul3A_48, %add3A_49 : i32
    %add3A_51 = vector.broadcast %add3A_50 : i32 to vector<16xi32>
    %add3A_52 = arith.addi %add3A_51, %iota3A : vector<16xi32>
    %min3A_53 = arith.constant 799 : i32
    %min3A_54 = vector.broadcast %min3A_53 : i32 to vector<16xi32>
    %min3A_55 = arith.minsi %add3A_52, %min3A_54 : vector<16xi32>
    %gather3A = tpu.vector_load_idx %arg7[%min3A_55] : memref<800xi32, #tpu.memory_space<vmem>>[vector<16xi32>], vector<16xi32>,
    %mul3A_56 = arith.constant 50 : i32
    %mul3A_57 = arith.muli %select_n3A, %mul3A_56 : i32
    %add3A_58 = arith.constant 16 : i32
    %add3A_59 = arith.addi %mul3A_57, %add3A_58 : i32
    %add3A_60 = vector.broadcast %add3A_59 : i32 to vector<16xi32>
    %add3A_61 = arith.addi %add3A_60, %iota3A : vector<16xi32>
    %min3A_62 = arith.constant 799 : i32
    %min3A_63 = vector.broadcast %min3A_62 : i32 to vector<16xi32>
    %min3A_64 = arith.minsi %add3A_61, %min3A_63 : vector<16xi32>
    %gather3A_65 = tpu.vector_load_idx %arg7[%min3A_64] : memref<800xi32, #tpu.memory_space<vmem>>[vector<16xi32>], vector<16xi32>,
    %mul3A_66 = arith.constant 50 : i32
    %mul3A_67 = arith.muli %select_n3A, %mul3A_66 : i32
    %add3A_68 = arith.constant 32 : i32
    %add3A_69 = arith.addi %mul3A_67, %add3A_68 : i32
    %add3A_70 = vector.broadcast %add3A_69 : i32 to vector<16xi32>
    %add3A_71 = arith.addi %add3A_70, %iota3A : vector<16xi32>
    %min3A_72 = arith.constant 799 : i32
    %min3A_73 = vector.broadcast %min3A_72 : i32 to vector<16xi32>
    %min3A_74 = arith.minsi %add3A_71, %min3A_73 : vector<16xi32>
    %gather3A_75 = tpu.vector_load_idx %arg7[%min3A_74] : memref<800xi32, #tpu.memory_space<vmem>>[vector<16xi32>], vector<16xi32>,
    %mul3A_76 = arith.constant 50 : i32
    %mul3A_77 = arith.muli %select_n3A, %mul3A_76 : i32
    %add3A_78 = arith.constant 48 : i32
    %add3A_79 = arith.addi %mul3A_77, %add3A_78 : i32
    %add3A_80 = vector.broadcast %add3A_79 : i32 to vector<16xi32>
    %add3A_81 = arith.addi %add3A_80, %iota3A : vector<16xi32>
    %min3A_82 = arith.constant 799 : i32
    %min3A_83 = vector.broadcast %min3A_82 : i32 to vector<16xi32>
    %min3A_84 = arith.minsi %add3A_81, %min3A_83 : vector<16xi32>
    %gather3A_85 = tpu.vector_load_idx %arg7[%min3A_84] : memref<800xi32, #tpu.memory_space<vmem>>[vector<16xi32>], vector<16xi32>,
    %add3A_86 = arith.constant 0 : i32
    %add3A_87 = vector.broadcast %add3A_86 : i32 to vector<16xi32>
    %add3A_88 = arith.addi %iota3A, %add3A_87 : vector<16xi32>
    %mul3A_89 = arith.constant 450 : i32
    %mul3A_90 = vector.broadcast %mul3A_89 : i32 to vector<16xi32>
    %mul3A_91 = arith.muli %add3A_88, %mul3A_90 : vector<16xi32>
    %add3A_92 = arith.constant 16 : i32
    %add3A_93 = vector.broadcast %add3A_92 : i32 to vector<16xi32>
    %add3A_94 = arith.addi %iota3A, %add3A_93 : vector<16xi32>
    %mul3A_95 = arith.constant 450 : i32
    %mul3A_96 = vector.broadcast %mul3A_95 : i32 to vector<16xi32>
    %mul3A_97 = arith.muli %add3A_94, %mul3A_96 : vector<16xi32>
    %add3A_98 = arith.constant 32 : i32
    %add3A_99 = vector.broadcast %add3A_98 : i32 to vector<16xi32>
    %add3A_100 = arith.addi %iota3A, %add3A_99 : vector<16xi32>
    %mul3A_101 = arith.constant 450 : i32
    %mul3A_102 = vector.broadcast %mul3A_101 : i32 to vector<16xi32>
    %mul3A_103 = arith.muli %add3A_100, %mul3A_102 : vector<16xi32>
    %add3A_104 = arith.constant 48 : i32
    %add3A_105 = vector.broadcast %add3A_104 : i32 to vector<16xi32>
    %add3A_106 = arith.addi %iota3A, %add3A_105 : vector<16xi32>
    %mul3A_107 = arith.constant 450 : i32
    %mul3A_108 = vector.broadcast %mul3A_107 : i32 to vector<16xi32>
    %mul3A_109 = arith.muli %add3A_106, %mul3A_108 : vector<16xi32>
    %parallel_loop3A = arith.constant 0 : i32
    %parallel_loop3A_110 = arith.constant 450 : i32
    %parallel_loop3A_111 = arith.constant 1 : i32
    scf.for %parallel_loop3A_114 = %parallel_loop3A to %parallel_loop3A_110 step %parallel_loop3A_111  : i32 {
      %parallel_loop3A_115 = arith.constant 91 : i32
      %parallel_loop3A_116 = arith.muli %parallel_loop3A_114, %parallel_loop3A_115 : i32
      %parallel_loop3A_117 = arith.addi %sub3A_46, %parallel_loop3A_116 : i32
      %parallel_loop3A_118 = vector.broadcast %parallel_loop3A_117 : i32 to vector<16xi32>
      %parallel_loop3A_119 = arith.addi %parallel_loop3A_118, %gather3A : vector<16xi32>
      %parallel_loop3A_120 = tpu.vector_load_idx %arg5[%parallel_loop3A_119] : memref<40960xf32, #tpu.memory_space<vmem>>[vector<16xi32>], vector<16xf32>,
      %parallel_loop3A_121 = vector.broadcast %parallel_loop3A_114 : i32 to vector<16xi32>
      %parallel_loop3A_122 = arith.addi %mul3A_91, %parallel_loop3A_121 : vector<16xi32>
      tpu.vector_store_idx %arg6[%parallel_loop3A_122], %parallel_loop3A_120 : memref<28800xf32, #tpu.memory_space<vmem>>[vector<16xi32>], vector<16xf32>,
      %parallel_loop3A_123 = vector.broadcast %parallel_loop3A_117 : i32 to vector<16xi32>
      %parallel_loop3A_124 = arith.addi %parallel_loop3A_123, %gather3A_65 : vector<16xi32>
      %parallel_loop3A_125 = tpu.vector_load_idx %arg5[%parallel_loop3A_124] : memref<40960xf32, #tpu.memory_space<vmem>>[vector<16xi32>], vector<16xf32>,
      %parallel_loop3A_126 = vector.broadcast %parallel_loop3A_114 : i32 to vector<16xi32>
      %parallel_loop3A_127 = arith.addi %mul3A_97, %parallel_loop3A_126 : vector<16xi32>
      tpu.vector_store_idx %arg6[%parallel_loop3A_127], %parallel_loop3A_125 : memref<28800xf32, #tpu.memory_space<vmem>>[vector<16xi32>], vector<16xf32>,
      %parallel_loop3A_128 = vector.broadcast %parallel_loop3A_117 : i32 to vector<16xi32>
      %parallel_loop3A_129 = arith.addi %parallel_loop3A_128, %gather3A_75 : vector<16xi32>
      %parallel_loop3A_130 = tpu.vector_load_idx %arg5[%parallel_loop3A_129] : memref<40960xf32, #tpu.memory_space<vmem>>[vector<16xi32>], vector<16xf32>,
      %parallel_loop3A_131 = vector.broadcast %parallel_loop3A_114 : i32 to vector<16xi32>
      %parallel_loop3A_132 = arith.addi %mul3A_103, %parallel_loop3A_131 : vector<16xi32>
      tpu.vector_store_idx %arg6[%parallel_loop3A_132], %parallel_loop3A_130 : memref<28800xf32, #tpu.memory_space<vmem>>[vector<16xi32>], vector<16xf32>,
      %parallel_loop3A_133 = vector.broadcast %parallel_loop3A_117 : i32 to vector<16xi32>
      %parallel_loop3A_134 = arith.addi %parallel_loop3A_133, %gather3A_85 : vector<16xi32>
      %parallel_loop3A_135 = tpu.vector_load_idx %arg5[%parallel_loop3A_134] : memref<40960xf32, #tpu.memory_space<vmem>>[vector<16xi32>], vector<16xf32>,
      %parallel_loop3A_136 = vector.broadcast %parallel_loop3A_114 : i32 to vector<16xi32>
      %parallel_loop3A_137 = arith.addi %mul3A_109, %parallel_loop3A_136 : vector<16xi32>
      tpu.vector_store_idx %arg6[%parallel_loop3A_137], %parallel_loop3A_135 : memref<28800xf32, #tpu.memory_space<vmem>>[vector<16xi32>], vector<16xf32>,
    } {sc.loop_unroll_factor = 4 : i64, sc.parallel_access}
    %mul3A_112 = arith.constant 28800 : i32
    %mul3A_113 = arith.muli %add3A, %mul3A_112 : i32
    "tpu.region"() ({
      %run_scoped3A = tpu.sem_alloc : memref<!tpu.dma_semaphore, #tpu.memory_space<semaphore_mem>>
      %dma_start3A = tpu.memref_slice %arg4[%mul3A_113] : memref<921600xf32, #tpu.memory_space<hbm>> -> memref<28800xf32, #tpu.memory_space<hbm>>
      %dma_start3A_114 = tpu.memref_slice %arg4[%mul3A_113] : memref<921600xf32, #tpu.memory_space<hbm>> -> memref<28800xf32, #tpu.memory_space<hbm>>
      tpu.enqueue_dma source(%arg6 : memref<28800xf32, #tpu.memory_space<vmem>>) target(%dma_start3A_114 : memref<28800xf32, #tpu.memory_space<hbm>>) target_semaphore(%run_scoped3A : memref<!tpu.dma_semaphore, #tpu.memory_space<semaphore_mem>>)
      %dma_wait3A = tpu.memref_slice %arg4[%mul3A_113] : memref<921600xf32, #tpu.memory_space<hbm>> -> memref<28800xf32, #tpu.memory_space<hbm>>
      %dma_wait3A_115 = tpu.memref_slice %arg4[%mul3A_113] : memref<921600xf32, #tpu.memory_space<hbm>> -> memref<28800xf32, #tpu.memory_space<hbm>>
      tpu.wait_dma2 semaphore(%run_scoped3A : memref<!tpu.dma_semaphore, #tpu.memory_space<semaphore_mem>>) src(%arg6 : memref<28800xf32, #tpu.memory_space<vmem>>) dst(%dma_wait3A_115 : memref<28800xf32, #tpu.memory_space<hbm>>)
      tpu.yield
    }) : () -> ()
    return
  }
}

</mosaic_0001>

<sc_bundles>
// kernel: _sc_gather.3.cloned.1.call-start
scs
__scs_entry_jumppad:
0x0: {  	(pc) =	sbr.rel $0x88, $3  }
0x1: {  	(tag) =	ssettag $0x0;
	lr =	simm.s32 $0x1  }
0x2: {  	[smem:$0x3F9F] =	sst lr;
	_ =	strace $0xD0000000  }
0x3: {  	_ = 	snop  }
0x4: {  	_ = 	snop  }
0x5: {  	_ = 	snop  }
0x6: {  	_ = 	snop  }
0x7: {  	_ = 	snop  }
__scs_overlays_trampoline_lowered:
0x8: {  	[smem:$0x3FAE] =	sst s0  }
0x9: {  	[smem:$0x3FAF] =	sst s1  }
0xa: {  	[smem:$0x3FB0] =	sst s2  }
0xb: {  	[smem:$0x3FB1] =	sst s3  }
0xc: {  	[smem:$0x3FB2] =	sst s4  }
0xd: {  	[smem:$0x3FB3] =	sst s5  }
0xe: {  	[smem:$0x3FB4] =	sst s6  }
0xf: {  	[smem:$0x3FB5] =	sst s7  }
0x10: {  	[smem:$0x3FB6] =	sst s8  }
0x11: {  	[smem:$0x3FB7] =	sst s9;
	s0 =	simm.s32 @!p0 $0x0  }
0x12: {  	s1 =	sld [smem:$0x3F9D];
	s0 =	simm.s32 @p0 $0x1  }
0x13: {  	[smem:$0x3FB8] =	sst s0;
	s0 =	simm.s32 @!p1 $0x0  }
0x14: {  	s2 =	sld [smem:$0x3F9C];
	s0 =	simm.s32 @p1 $0x1  }
0x15: {  	[smem:$0x3FB9] =	sst s0;
	s0 =	simm.s32 @!p2 $0x0  }
0x16: {  	s3 =	sld [smem:$0x3FDB];
	s0 =	simm.s32 @p2 $0x1  }
0x17: {  	s4 =	simm.s32 $0x1BF5;
	[smem:$0x3FBB] =	sst s0  }
0x18: {  	s0 =	sld [smem:$0x3F9E];
	_ =	swait.ge [sflag:s4], $0x0  }
0x19: {  	s7 =	sld [smem:$0x3F9F]  }
0x1a: {  	s8 =	sadd.s32 $0xFFFFE003, lr  }
0x1b: {  	s9 =	sadd.s32 $0xFFFFFEF7, lr;
	s5 =	simm.s32 $0xFFFFFFFF;
	p2 =	slt.u32 s8, $0xFFFFF086  }
0x1c: {  	p1 =	slt.u32 s9, $0xF7A;
	s5 =	simm.s32 @!p2 $0x0  }
0x1d: {  	s5 =	simm.s32 @p1 $0x1;
	p0 =	seq.s32 s7, s2  }
0x1e: {  	s7 =	smul.u32 @!p0 $0xF7A, s2;
	p2 =	seq.s32 @!p0 s5, $0x0  }
0x1f: {  	s9 =	smul.u32 $0xF7A, s1;
	s8 =	simm.s32 @!p0 $0x1BF5;
	p2 =	por !p2, p0  }
0x20: {  	[sflag:s8] =	ssyncset.s32 @!p0 $0xFFFFF086;
	s6 =	sadd.s32 @!p0 s3, s7;
	s7 =	simm.s32 @!p0 $0x108  }
0x21: {  	s3 =	sadd.s32 s3, s9;
	s6 =	sadd.s32 @!p0 $0x88, s6;
	s7 =	simm.s32 @p2 $0x1082  }
0x22: {  	[simem:s7], [sflag:s8] =	dma.local @!p0 [hbm:s6], $0xF7A  }
0x23: {  	s9 =	sor.u32 $0xD0000000, s2;
	s6 =	simm.s32 $0x108;
	_ =	swait.ge @!p0 [sflag:s8], $0x0  }
0x24: {  	s3 =	sadd.s32 $0x88, s3;
	s6 =	simm.s32 @!p1 $0x1082;
	[sflag:s4] =	ssyncset.s32 $0xFFFFF086  }
0x25: {  	[simem:s6], [sflag:s4] =	dma.local [hbm:s3], $0xF7A  }
0x26: {  	[smem:$0x3F9F] =	sst s1;
	(tag) =	ssettag s2;
	_ =	strace s9  }
0x27: {  	s1 =	sld [smem:$0x3FAF]  }
0x28: {  	s2 =	sld [smem:$0x3FB0]  }
0x29: {  	s4 =	sld [smem:$0x3FB2]  }
0x2a: {  	p0 =	seq.s32 s5, $0x0;
	s5 =	sld [smem:$0x3FB3]  }
0x2b: {  	s6 =	sld [smem:$0x3FB4]  }
0x2c: {  	s7 =	sld [smem:$0x3FB5]  }
0x2d: {  	s3 =	simm.s32 $0x108;
	s8 =	sld [smem:$0x3FB6]  }
0x2e: {  	s3 =	simm.s32 @!p0 $0x1082;
	s9 =	sld [smem:$0x3FB7]  }
0x2f: {  	lr =	sadd.s32 s0, s3;
	s0 =	sld [smem:$0x3FAE]  }
0x30: {  	s3 =	sld [smem:$0x3FB1]  }
0x31: {  	[smem:$0x3FBA] =	sst s10  }
0x32: {  	s10 =	sld [smem:$0x3FB8];
	_ =	sdelay $0x3  }
0x33: {  	p0 =	seq.s32 s10, $0x1;
	s10 =	sld [smem:$0x3FBA];
	_ =	sdelay $0x3  }
0x34: {  	[smem:$0x3FBA] =	sst s10  }
0x35: {  	s10 =	sld [smem:$0x3FB9];
	_ =	sdelay $0x3  }
0x36: {  	p1 =	seq.s32 s10, $0x1;
	s10 =	sld [smem:$0x3FBA];
	_ =	sdelay $0x3  }
0x37: {  	[smem:$0x3FBA] =	sst s10  }
0x38: {  	s10 =	sld [smem:$0x3FBB]  }
0x39: {  	_ = 	snop;
	(pc) =	sbr.ind lr, $3  }
0x3a: {  	_ = 	snop  }
0x3b: {  	_ = 	snop  }
0x3c: {  	p2 =	seq.s32 s10, $0x1;
	s10 =	sld [smem:$0x3FBA]  }
0x3d: {  	_ =	shalt  }
0x3e: {  	_ =	shalt  }
0x3f: {  	_ =	shalt  }
0x40: {  	_ =	shalt  }
0x41: {  	_ =	shalt  }
0x42: {  	_ =	shalt  }
0x43: {  	_ =	shalt  }
0x44: {  	_ =	shalt  }
0x45: {  	_ =	shalt  }
0x46: {  	_ =	shalt  }
0x47: {  	_ =	shalt  }
0x48: {  	_ =	shalt  }
0x49: {  	_ =	shalt  }
0x4a: {  	_ =	shalt  }
0x4b: {  	_ =	shalt  }
0x4c: {  	_ =	shalt  }
0x4d: {  	_ =	shalt  }
0x4e: {  	_ =	shalt  }
0x4f: {  	_ =	shalt  }
0x50: {  	_ =	shalt  }
0x51: {  	_ =	shalt  }
0x52: {  	_ =	shalt  }
0x53: {  	_ =	shalt  }
0x54: {  	_ =	shalt  }
0x55: {  	_ =	shalt  }
0x56: {  	_ =	shalt  }
0x57: {  	_ =	shalt  }
0x58: {  	_ =	shalt  }
0x59: {  	_ =	shalt  }
0x5a: {  	_ =	shalt  }
0x5b: {  	_ =	shalt  }
0x5c: {  	_ =	shalt  }
0x5d: {  	_ =	shalt  }
0x5e: {  	_ =	shalt  }
0x5f: {  	_ =	shalt  }
0x60: {  	_ =	shalt  }
0x61: {  	_ =	shalt  }
0x62: {  	_ =	shalt  }
0x63: {  	_ =	shalt  }
0x64: {  	_ =	shalt  }
0x65: {  	_ =	shalt  }
0x66: {  	_ =	shalt  }
0x67: {  	_ =	shalt  }
0x68: {  	_ =	shalt  }
0x69: {  	_ =	shalt  }
0x6a: {  	_ =	shalt  }
0x6b: {  	_ =	shalt  }
0x6c: {  	_ =	shalt  }
0x6d: {  	_ =	shalt  }
0x6e: {  	_ =	shalt  }
0x6f: {  	_ =	shalt  }
0x70: {  	_ =	shalt  }
0x71: {  	_ =	shalt  }
0x72: {  	_ =	shalt  }
0x73: {  	_ =	shalt  }
0x74: {  	_ =	shalt  }
0x75: {  	_ =	shalt  }
0x76: {  	_ =	shalt  }
0x77: {  	_ =	shalt  }
0x78: {  	_ =	shalt  }
0x79: {  	_ =	shalt  }
0x7a: {  	_ =	shalt  }
0x7b: {  	_ =	shalt  }
0x7c: {  	_ =	shalt  }
0x7d: {  	_ =	shalt  }
0x7e: {  	_ =	shalt  }
0x7f: {  	_ =	shalt  }
0x80: {  	_ =	shalt  }
0x81: {  	_ =	shalt  }
0x82: {  	_ =	shalt  }
0x83: {  	_ =	shalt  }
0x84: {  	_ =	shalt  }
0x85: {  	_ =	shalt  }
0x86: {  	_ =	shalt  }
0x87: {  	_ =	shalt  }
.Lfunc_end0:
.L_simem_size_0:
called_computation_lowered:
.L_overlay_start_0:
0x88: {  	s2 =	sld [smem:$0x3FD9]  }
0x89: {  	s3 =	sld [smem:$0x3FFE];
	_ =	sdelay $0x1  }
0x8a: {  	s1 =	srdreg.scid  }
0x8b: {  	s0 =	sand.u32 $0x1, s1  }
0x8c: {  	s18 =	sshll.u32 s0, $0xA;
	s2 =	sadd.s32 s3, s2  }
0x8d: {  	s2 =	sadd.s32 s2, s18  }
0x8e: {  	[smem:$0x3FC6] =	sst s2  }
0x8f: {  	_ = 	snop  }
0x90: {  	s2 =	sld [smem:$0x3FC9]  }
0x91: {  	s19 =	sld [smem:$0x3FC8]  }
0x92: {  	s4 =	sld [smem:$0x3FD0];
	(tm) =	ssettm $0x1  }
0x93: {  	s5 =	sld [smem:$0x3FFB];
	_ =	sdelay $0x3  }
0x94: {  	_ =	strace s5  }
0x95: {  	s5 =	sld [smem:$0x3FFC];
	_ =	sdelay $0x3  }
0x96: {  	_ =	strace s5  }
0x97: {  	s5 =	sld [smem:$0x3FFD];
	_ =	sdelay $0x3  }
0x98: {  	_ =	strace s5  }
0x99: {  	_ =	strace $0x8FFFFFFF  }
0x9a: {  	s20 =	sld [smem:$0x3FDB];
	_ =	sdelay $0x1  }
0x9b: {  	s6 =	simm.s32 $_scs_section_size  }
0x9c: {  	s7 =	simm.s32 $_size__tile_overlayer_lowered;
	s8 =	simm.s32 $_tile_overlayer_lowered  }
0x9d: {  	s23 =	simm.s32 $0x1BFF;
	s22 =	sshll.u32 s8, $0x1;
	s5 =	sadd.s32 s6, s20  }
0x9e: {  	s9 =	simm.s32 $0x0;
	s21 =	sshll.u32 s7, $0x1;
	s7 =	sadd.s32 s22, s5  }
0x9f: {  	[timem:s9], [sflag:s23] =	dma.local [hbm:s7], s21  }
0xa0: {  	_ =	swait.ge [sflag:s23], s21  }
0xa1: {  	s6 =	ssub.s32 $0x0, s21;
	[sflag:s23] =	ssyncset.done $0x0  }
0xa2: {  	[sflag:s23] =	ssyncadd.s32 s6;
	_ =	sdelay $0x1  }
0xa3: {  	s24 =	simm.s32 $0x1B8B  }
0xa4: {  	_ =	swait.ge [sflag:s24], $0x1  }
0xa5: {  	[sflag:s24] =	ssyncset.done $0x0  }
0xa6: {  	s25 =	simm.s32 $0x1B8E;
	[sflag:s24] =	ssyncadd.s32 $0xFFFFFFFF  }
0xa7: {  	s26 =	simm.s32 $execute0_lowered;
	[smem:$0x3FD2] =	sst s25  }
0xa8: {  	s6 =	sshll.u32 s26, $0x1;
	_ =	strace $0x80000046;
	[dreg:$0x1] =	wrdreg $0xFFFFFFFF  }
0xa9: {  	s28 =	simm.s32 $_size_execute0_lowered;
	s5 =	sadd.s32 s5, s6;
	[dreg:$0x0] =	wrdreg $0x0  }
0xaa: {  	s6 =	sshll.u32 s28, $0x1;
	[dreg:$0x2] =	wrdreg s5  }
0xab: {  	[dreg:$0x3] =	wrdreg s6  }
0xac: {  	[dreg:$0x4] =	wrdreg $0xC0  }
0xad: {  	_ =	task [dreg:s9], $0x5FFFF  }
0xae: {  	[dreg:$0x1] =	wrdreg $0xFFFFFFFF  }
0xaf: {  	[dreg:$0x0] =	wrdreg $0x60  }
0xb0: {  	[dreg:$0x2] =	wrdreg s2  }
0xb1: {  	[dreg:$0x3] =	wrdreg s19  }
0xb2: {  	[dreg:$0x4] =	wrdreg s4  }
0xb3: {  	[dreg:$0x5] =	wrdreg $0x9  }
0xb4: {  	_ =	task.clear_ibuf [dreg:s9], $0x6FFFF;
	_ =	strace $0x90000046  }
0xb5: {  	s29 =	simm.s32 $0x9;
	_ =	strace $0x80000048  }
0xb6: {  	_ =	swait.ge [sflag:s29], $0x1  }
0xb7: {  	[sflag:s29] =	ssyncadd.s32 $0xFFFFFFFF  }
0xb8: {  	_ =	strace $0x90000048  }
0xb9: {  	_ =	sfence  }
0xba: {  	s30 =	sld [smem:$0x0];
	_ =	sdelay $0x2  }
0xbb: {  	s31 =	sshll.u32 s1, $0xD;
	s1 =	sshrl.u32 s1, $0x2  }
0xbc: {  	s3 =	sand.u32 $0x4000, s31;
	s1 =	sadd.s32 s1, s30  }
0xbd: {  	s0 =	sor.u32 s3, s0;
	s1 =	sshll.u32 s1, $0x11  }
0xbe: {  	s0 =	sor.u32 s1, s0  }
0xbf: {  	s0 =	sadd.s32 $0x8F2B, s0  }
0xc0: {  	[sflag:s0] =	ssyncadd.remote.s32 $0x1  }
0xc1: {  	_ =	sfence.sel $0xFFFF  }
0xc2: {  	[dreg:$0x0] =	wrdreg $0xFFFFFFFF;
	(pc) =	sbr.abs _section_cstart, $3  }
0xc3: {  	[dreg:$0x1] =	wrdreg $0xFFFFFFFF  }
0xc4: {  	_ =	task.clear_ibuf [dreg:s9], $0x2FFFF;
	_ =	strace $0x9FFFFFFF  }
0xc5: {  	(tm) =	ssettm $0x7FFFFFFF  }
tec
execute0_lowered:
.L_overlay_start_1:
0x0: {  	(tag) =	ssettag $0x1  }
0x1: {  	s1 =	srdreg.scid;
	s0 =	stileid.u32  }
0x2: {  	s6 =	rddreg [dreg:$0x0];
	s4 =	sand.u32 $0x1, s1;
	s25 =	sshll.u32 s0, $0x1  }
0x3: {  	s2 =	rddreg [dreg:$0x1];
	s5 =	sor.u32 s4, s25  }
0x4: {  	s7 =	rddreg [dreg:$0x2];
	p1 =	seq.s32 s4, $0x1;
	p0 =	seq.s32 s5, $0x0  }
0x5: {  	s1 =	simm.s32 $0x1;
	s11 =	smul.u32 $0x13FEC, s0;
	p0 =	por !p0, !p1  }
0x6: {  	s10 =	ssub.s32 $0x2, s4;
	s4 =	smul.u32 $0x9FF6, s4;
	p0 =	por !p0, !p0  }
0x7: {  	s3 =	simm.s32 $0x0;
	s8 =	smul.u32 $0x9FF6, s5;
	s1 =	simm.s32 @!p0 $0x0  }
0x8: {  	s12 =	sshrl.u32 s10, $0x1;
	s29 =	smul.u32 $0xE10, s5;
	s9 =	ssub.s32 s0, s1  }
0x9: {  	[smem:$0x7FF] =	sst s3;
	s10 =	ssub.s32 s10, s12;
	s9 =	smul.u32 $0x32, s9  }
0xa: {  	v1 =	vlaneseq.u32;
	s11 =	sadd.s32 s4, s11;
	s4 =	simm.s32 $0x1;
	s12 =	simm.s32 $0x0  }
0xb: {  	s8 =	sand.u32 $0x1FFFF8, s8;
	v0 =	vadd.s32 s9, v1;
	s26 =	sadd.s32 $0x10, s9;
	s28 =	sadd.s32 $0x20, s9  }
0xc: {  	s30 =	sand.u32 $0x3FFFF8, s11;
	s8 =	smin.u32 s8, $0x135EC0;
	s9 =	sadd.s32 $0x30, s9;
	vm0 =	vlt.s32 v0, $0x31F;
	v2 =	vadd.s32 s26, v1;
	v3 =	vadd.s32 s28, v1  }
0xd: {  	s31 =	smin.u32 s30, $0x135EC0;
	s1 =	rddreg [dreg:$0x3];
	s8 =	sshrl.u32 s8, $0x3;
	v4 =	vadd.s32 s9, v1;
	v1 =	vmul.u32 $0x1C2, v1;
	v0 =	vnsel vm0, $0x31F, v0  }
0xe: {  	_ =	strace $0x80000047;
	s5 =	sadd.s32 s6, s8;
	s6 =	sadd.s32 s7, s29;
	vm15 =	vlt.s32 v2, $0x31F;
	vm1 =	vlt.s32 v3, $0x31F;
	vm2 =	vlt.s32 v4, $0x31F  }
0xf: {  	s7 =	smax.u32 s10, $0x1;
	s10 =	simm.s32 $0x11080;
	s9 =	ssub.s32 s11, s31;
	v2 =	vnsel vm15, $0x31F, v2;
	v3 =	vnsel vm1, $0x31F, v3;
	v4 =	vnsel vm2, $0x31F, v4  }
0x10: {  	s11 =	simm.s32 $0xA000;
	s8 =	sadd.s32 $0x111, s9;
	s9 =	sadd.s32 $0x9F40, s9;
	v5 =	vadd.s32 $0x1C20, v1;
	v6 =	vadd.s32 $0x3840, v1;
	v7 =	vadd.s32 $0x5460, v1  }
.LBB2_1:
0x11: {  	[tilespmem:s10], [sflag:$0x1] =	stream.linear.gather [hbm4b:s2+s3], $0x380, $0x38;
	[tilespmem:$0x11400] =	vst v63  }
0x12: {  	_ =	swait.ge [sflag:s4], $0x380  }
0x13: {  	[sflag:s4] =	ssyncset.done $0x0  }
0x14: {  	[sflag:s4] =	ssyncadd.s32 $0xFFFFFC80  }
0x15: {  	[tilespmem:s3], [sflag:$0x1] =	stream.linear.gather [hbm4b:s5+s3], $0xA000, $0x38;
	[tilespmem:$0x11400] =	vst v63  }
0x16: {  	_ =	swait.ge [sflag:s4], $0xA000  }
0x17: {  	[sflag:s4] =	ssyncset.done $0x0  }
0x18: {  	[sflag:s4] =	ssyncadd.s32 $0xFFFF6000  }
0x19: {  	v8 =	vld.idx.msk [tilespmem:v0+s10+$0x0], $0xffff;
	_ =	sdelay $0x4  }
0x1a: {  	s14 =	sadd.s32 $0xFFFFFFA5, s8;
	v10 =	vadd.s32 s8, v8  }
0x1b: {  	s13 =	sadd.s32 $0xFFFFFEEF, s8;
	v9 =	vld.idx.msk [tilespmem:v2+s10+$0x0], $0xffff;
	v11 =	vadd.s32 s14, v8  }
0x1c: {  	v12 =	vadd.s32 s13, v8  }
0x1d: {  	s17 =	sadd.s32 $0xFFFFFF4A, s8  }
0x1e: {  	s16 =	simm.s32 $0x3;
	v13 =	vadd.s32 s17, v8  }
0x1f: {  	s19 =	simm.s32 $0x2;
	v15 =	vadd.s32 s16, v1;
	v14 =	vld.idx.msk [tilespmem:v10+s3+$0x0], $0xffff  }
0x20: {  	v18 =	vadd.s32 s19, v1;
	v16 =	vadd.s32 s8, v9;
	v17 =	vld.idx.msk [tilespmem:v11+s3+$0x0], $0xffff  }
0x21: {  	v20 =	vadd.s32 s3, v1;
	v19 =	vadd.s32 s14, v9;
	v12 =	vld.idx.msk [tilespmem:v12+s3+$0x0], $0xffff  }
0x22: {  	s21 =	simm.s32 $0x1;
	v10 =	vld.idx.msk [tilespmem:v3+s10+$0x0], $0xffff  }
0x23: {  	v22 =	vadd.s32 s21, v1;
	v13 =	vld.idx.msk [tilespmem:v13+s3+$0x0], $0xffff  }
0x24: {  	v21 =	vadd.s32 s13, v9;
	v11 =	vld.idx.msk [tilespmem:v4+s10+$0x0], $0xffff;
	[tilespmem:v15+s11+$0x0] =	vst.idx.msk $0xffff, v14  }
0x25: {  	s20 =	sadd.s32 $0x16C, s8;
	v14 =	vadd.s32 s17, v9;
	[tilespmem:v18+s11+$0x0] =	vst.idx.msk $0xffff, v17;
	v15 =	vld.idx.msk [tilespmem:v16+s3+$0x0], $0xffff;
	v16 =	vadd.s32 s16, v5  }
0x26: {  	[tilespmem:v20+s11+$0x0] =	vst.idx.msk $0xffff, v12;
	v12 =	vadd.s32 s20, v8;
	v18 =	vld.idx.msk [tilespmem:v19+s3+$0x0], $0xffff;
	v19 =	vadd.s32 s19, v5  }
0x27: {  	s15 =	sadd.s32 $0xFFFFFFA5, s20;
	v23 =	vadd.s32 s14, v10  }
0x28: {  	[tilespmem:v22+s11+$0x0] =	vst.idx.msk $0xffff, v13;
	v13 =	vadd.s32 s15, v8  }
0x29: {  	s22 =	sadd.s32 $0xFFFFFEEF, s20;
	v25 =	vadd.s32 s19, v6;
	v17 =	vadd.s32 s8, v10;
	v20 =	vld.idx.msk [tilespmem:v21+s3+$0x0], $0xffff  }
0x2a: {  	s23 =	sadd.s32 $0xFFFFFF4A, s20;
	v39 =	vadd.s32 s16, v6;
	v21 =	vadd.s32 s22, v8;
	v14 =	vld.idx.msk [tilespmem:v14+s3+$0x0], $0xffff;
	[tilespmem:v16+s11+$0x0] =	vst.idx.msk $0xffff, v15;
	v15 =	vadd.s32 s3, v5  }
0x2b: {  	v12 =	vld.idx.msk [tilespmem:v12+s3+$0x0], $0xffff;
	v16 =	vadd.s32 s23, v8;
	[tilespmem:v19+s11+$0x0] =	vst.idx.msk $0xffff, v18;
	v19 =	vadd.s32 s21, v5  }
0x2c: {  	v41 =	vadd.s32 s21, v6;
	v37 =	vadd.s32 s13, v11;
	v18 =	vadd.s32 s13, v10;
	s13 =	simm.s32 $0x7;
	v23 =	vld.idx.msk [tilespmem:v23+s3+$0x0], $0xffff  }
0x2d: {  	v33 =	vadd.s32 s19, v7;
	v24 =	vadd.s32 s17, v10;
	v13 =	vld.idx.msk [tilespmem:v13+s3+$0x0], $0xffff;
	v26 =	vadd.s32 s13, v1  }
0x2e: {  	v29 =	vadd.s32 s20, v9;
	v27 =	vadd.s32 s14, v11;
	v22 =	vld.idx.msk [tilespmem:v17+s3+$0x0], $0xffff;
	v17 =	vadd.s32 s17, v11;
	s17 =	simm.s32 $0x6  }
0x2f: {  	s18 =	simm.s32 $0x4;
	v30 =	vadd.s32 s23, v9;
	v21 =	vld.idx.msk [tilespmem:v21+s3+$0x0], $0xffff;
	v31 =	vadd.s32 s17, v1;
	[tilespmem:v15+s11+$0x0] =	vst.idx.msk $0xffff, v20  }
0x30: {  	v34 =	vadd.s32 s15, v9;
	s14 =	simm.s32 $0x5;
	v20 =	vadd.s32 s18, v1;
	v32 =	vld.idx.msk [tilespmem:v16+s3+$0x0], $0xffff;
	[tilespmem:v19+s11+$0x0] =	vst.idx.msk $0xffff, v14  }
0x31: {  	v35 =	vadd.s32 s22, v9;
	v36 =	vadd.s32 s14, v1;
	v38 =	vld.idx.msk [tilespmem:v18+s3+$0x0], $0xffff;
	[tilespmem:v25+s11+$0x0] =	vst.idx.msk $0xffff, v23  }
0x32: {  	v15 =	vadd.s32 s22, v10;
	v14 =	vadd.s32 s22, v11;
	v40 =	vld.idx.msk [tilespmem:v24+s3+$0x0], $0xffff;
	v25 =	vadd.s32 s3, v6;
	[tilespmem:v26+s11+$0x0] =	vst.idx.msk $0xffff, v12  }
0x33: {  	v16 =	vadd.s32 s23, v10;
	v18 =	vadd.s32 s8, v11;
	v12 =	vadd.s32 s23, v11;
	[tilespmem:v39+s11+$0x0] =	vst.idx.msk $0xffff, v22;
	v28 =	vld.idx.msk [tilespmem:v27+s3+$0x0], $0xffff  }
0x34: {  	v19 =	vadd.s32 s20, v10;
	v24 =	vadd.s32 s18, v5;
	[tilespmem:v31+s11+$0x0] =	vst.idx.msk $0xffff, v13;
	v26 =	vld.idx.msk [tilespmem:v29+s3+$0x0], $0xffff;
	v13 =	vadd.s32 s20, v11  }
0x35: {  	v31 =	vadd.s32 s14, v5;
	s20 =	sadd.s32 $0x16C, s20;
	v27 =	vld.idx.msk [tilespmem:v34+s3+$0x0], $0xffff;
	v34 =	vadd.s32 s13, v5;
	[tilespmem:v20+s11+$0x0] =	vst.idx.msk $0xffff, v21  }
0x36: {  	v22 =	vadd.s32 s20, v10;
	[tilespmem:v36+s11+$0x0] =	vst.idx.msk $0xffff, v32;
	v29 =	vld.idx.msk [tilespmem:v35+s3+$0x0], $0xffff;
	v35 =	vadd.s32 s17, v5  }
0x37: {  	s19 =	simm.s32 $0x8;
	v23 =	vadd.s32 s3, v7;
	v21 =	vadd.s32 s16, v7;
	v36 =	vadd.s32 s15, v10;
	v30 =	vld.idx.msk [tilespmem:v30+s3+$0x0], $0xffff;
	[tilespmem:v25+s11+$0x0] =	vst.idx.msk $0xffff, v38  }
0x38: {  	s23 =	simm.s32 $0xC;
	s22 =	sadd.s32 $0xFFFFFF4A, s20;
	v32 =	vadd.s32 s20, v8;
	v20 =	vadd.s32 s20, v9;
	v25 =	vadd.s32 s21, v7;
	s21 =	sadd.s32 $0xFFFFFFA5, s20;
	[tilespmem:v41+s11+$0x0] =	vst.idx.msk $0xffff, v40;
	v37 =	vld.idx.msk [tilespmem:v37+s3+$0x0], $0xffff  }
.LBB2_2:
0x39: {  	p0 =	slt.u32 s23, $0x1BC;
	s24 =	sadd.s32 $0xFFFFFEEF, s20;
	v38 =	vadd.s32 s22, v8;
	v39 =	vadd.s32 s22, v9;
	v40 =	vadd.s32 s21, v8;
	v41 =	vld.idx.msk [tilespmem:v17+s3+$0x0], $0xffff;
	[tilespmem:v33+s11+$0x0] =	vst.idx.msk $0xffff, v28;
	s16 =	simm.s32 $0x1C0;
	v17 =	vmovc v12  }
0x3a: {  	v28 =	vadd.s32 s24, v8;
	v42 =	vadd.s32 s24, v9;
	v33 =	vadd.s32 s24, v10;
	[tilespmem:v34+s11+$0x0] =	vst.idx.msk $0xffff, v26;
	v26 =	vld.idx.msk [tilespmem:v18+s3+$0x0], $0xffff;
	v18 =	vmovc v13  }
0x3b: {  	v12 =	vadd.s32 s22, v11;
	v43 =	vadd.s32 s24, v11;
	v34 =	vadd.s32 s22, v10;
	[tilespmem:v35+s11+$0x0] =	vst.idx.msk $0xffff, v27;
	v27 =	vld.idx.msk [tilespmem:v19+s3+$0x0], $0xffff;
	v19 =	vmovc v22  }
0x3c: {  	v13 =	vadd.s32 s20, v11;
	[tilespmem:v24+s11+$0x0] =	vst.idx.msk $0xffff, v29;
	v22 =	vld.idx.msk [tilespmem:v36+s3+$0x0], $0xffff;
	v24 =	vadd.s32 s13, v6  }
0x3d: {  	s22 =	sadd.s32 $0x3, s19;
	v29 =	vld.idx.msk [tilespmem:v32+s3+$0x0], $0xffff;
	[tilespmem:v31+s11+$0x0] =	vst.idx.msk $0xffff, v30;
	v30 =	vadd.s32 s17, v6  }
0x3e: {  	s24 =	sadd.s32 $0x2, s19;
	v35 =	vadd.s32 s15, v11;
	s15 =	smov.u32 s21;
	v32 =	vadd.s32 s22, v1;
	v31 =	vld.idx.msk [tilespmem:v40+s3+$0x0], $0xffff;
	[tilespmem:v23+s11+$0x0] =	vst.idx.msk $0xffff, v37  }
0x3f: {  	v36 =	vadd.s32 s24, v1;
	v23 =	vld.idx.msk [tilespmem:v28+s3+$0x0], $0xffff;
	[tilespmem:v25+s11+$0x0] =	vst.idx.msk $0xffff, v41  }
0x40: {  	s21 =	sadd.s32 $0x1, s19;
	v25 =	vadd.s32 s19, v1;
	v37 =	vld.idx.msk [tilespmem:v38+s3+$0x0], $0xffff;
	v38 =	vadd.s32 s15, v9;
	[tilespmem:v21+s11+$0x0] =	vst.idx.msk $0xffff, v26  }
0x41: {  	v21 =	vadd.s32 s21, v1;
	v40 =	vld.idx.msk [tilespmem:v15+s3+$0x0], $0xffff;
	[tilespmem:v24+s11+$0x0] =	vst.idx.msk $0xffff, v27;
	v15 =	vmov v33  }
0x42: {  	v41 =	vadd.s32 s18, v6;
	v44 =	vld.idx.msk [tilespmem:v16+s3+$0x0], $0xffff;
	[tilespmem:v30+s11+$0x0] =	vst.idx.msk $0xffff, v22;
	v16 =	vmov v34  }
0x43: {  	v45 =	vadd.s32 s14, v6;
	v33 =	vadd.s32 s17, v7;
	[tilespmem:v32+s11+$0x0] =	vst.idx.msk $0xffff, v29;
	v28 =	vld.idx.msk [tilespmem:v35+s3+$0x0], $0xffff  }
.Ltmp0:
0x44: {  	s17 =	smov.u32 s24;
	v24 =	vadd.s32 s19, v5;
	v34 =	vadd.s32 s22, v5;
	[tilespmem:v36+s11+$0x0] =	vst.idx.msk $0xffff, v31;
	v26 =	vld.idx.msk [tilespmem:v20+s3+$0x0], $0xffff;
	(pc) =	sbr.rel @p0 .LBB2_2-.Ltmp0, $4  }
0x45: {  	v35 =	vadd.s32 s17, v5;
	[tilespmem:v25+s11+$0x0] =	vst.idx.msk $0xffff, v23;
	v27 =	vld.idx.msk [tilespmem:v38+s3+$0x0], $0xffff;
	v23 =	vadd.s32 s18, v7;
	s18 =	smov.u32 s19;
	s19 =	smov.u32 s23  }
0x46: {  	v31 =	vadd.s32 s21, v5;
	v29 =	vld.idx.msk [tilespmem:v42+s3+$0x0], $0xffff;
	[tilespmem:v21+s11+$0x0] =	vst.idx.msk $0xffff, v37;
	v21 =	vadd.s32 s13, v7;
	s13 =	smov.u32 s22  }
0x47: {  	s20 =	sadd.s32 $0x16C, s20;
	v36 =	vadd.s32 s15, v10;
	v25 =	vadd.s32 s14, v7;
	s14 =	smov.u32 s21;
	v30 =	vld.idx.msk [tilespmem:v39+s3+$0x0], $0xffff;
	[tilespmem:v41+s11+$0x0] =	vst.idx.msk $0xffff, v40  }
0x48: {  	v22 =	vadd.s32 s20, v10;
	v32 =	vadd.s32 s20, v8;
	v20 =	vadd.s32 s20, v9;
	s21 =	sadd.s32 $0xFFFFFFA5, s20;
	s23 =	sadd.s32 $0x4, s23;
	s22 =	sadd.s32 $0xFFFFFF4A, s20;
	v37 =	vld.idx.msk [tilespmem:v14+s3+$0x0], $0xffff;
	[tilespmem:v45+s11+$0x0] =	vst.idx.msk $0xffff, v44;
	v14 =	vmovc v43  }
0x49: {  	_ =	sdelay $0x3  }
0x4a: {  	[tilespmem:v33+s11+$0x0] =	vst.idx.msk $0xffff, v28  }
0x4b: {  	v38 =	vadd.s32 s21, v8;
	v17 =	vld.idx.msk [tilespmem:v17+s3+$0x0], $0xffff;
	[tilespmem:v34+s11+$0x0] =	vst.idx.msk $0xffff, v26  }
0x4c: {  	s24 =	sadd.s32 $0xFFFFFEEF, s20;
	v48 =	vadd.s32 s22, v8;
	v18 =	vld.idx.msk [tilespmem:v18+s3+$0x0], $0xffff;
	[tilespmem:v35+s11+$0x0] =	vst.idx.msk $0xffff, v27  }
0x4d: {  	v49 =	vadd.s32 s13, v6;
	s25 =	sadd.s32 $0x3, s19;
	v47 =	vadd.s32 s24, v8;
	v19 =	vld.idx.msk [tilespmem:v19+s3+$0x0], $0xffff;
	[tilespmem:v24+s11+$0x0] =	vst.idx.msk $0xffff, v29  }
0x4e: {  	v32 =	vld.idx.msk [tilespmem:v32+s3+$0x0], $0xffff;
	v58 =	vadd.s32 s25, v1;
	[tilespmem:v31+s11+$0x0] =	vst.idx.msk $0xffff, v30  }
0x4f: {  	v50 =	vadd.s32 s17, v6;
	s23 =	sadd.s32 $0x2, s19;
	v27 =	vld.idx.msk [tilespmem:v36+s3+$0x0], $0xffff;
	[tilespmem:v23+s11+$0x0] =	vst.idx.msk $0xffff, v37  }
0x50: {  	s26 =	sadd.s32 $0x1, s19;
	v52 =	vadd.s32 s23, v1;
	v51 =	vld.idx.msk [tilespmem:v38+s3+$0x0], $0xffff;
	[tilespmem:v25+s11+$0x0] =	vst.idx.msk $0xffff, v17  }
0x51: {  	v54 =	vadd.s32 s21, v9;
	v56 =	vadd.s32 s26, v1;
	v26 =	vld.idx.msk [tilespmem:v48+s3+$0x0], $0xffff;
	[tilespmem:v21+s11+$0x0] =	vst.idx.msk $0xffff, v18  }
0x52: {  	v53 =	vadd.s32 s19, v1;
	v57 =	vadd.s32 s22, v9;
	v28 =	vld.idx.msk [tilespmem:v47+s3+$0x0], $0xffff;
	[tilespmem:v49+s11+$0x0] =	vst.idx.msk $0xffff, v19  }
0x53: {  	v59 =	vadd.s32 s18, v6;
	v55 =	vadd.s32 s24, v9;
	v15 =	vld.idx.msk [tilespmem:v15+s3+$0x0], $0xffff;
	[tilespmem:v58+s11+$0x0] =	vst.idx.msk $0xffff, v32  }
0x54: {  	v60 =	vadd.s32 s15, v11;
	v61 =	vadd.s32 s14, v6;
	v16 =	vld.idx.msk [tilespmem:v16+s3+$0x0], $0xffff;
	[tilespmem:v50+s11+$0x0] =	vst.idx.msk $0xffff, v27  }
0x55: {  	v39 =	vadd.s32 s25, v5;
	v20 =	vld.idx.msk [tilespmem:v20+s3+$0x0], $0xffff;
	[tilespmem:v52+s11+$0x0] =	vst.idx.msk $0xffff, v51  }
0x56: {  	v63 =	vadd.s32 s23, v5;
	[tilespmem:v56+s11+$0x0] =	vst.idx.msk $0xffff, v26;
	v62 =	vld.idx.msk [tilespmem:v54+s3+$0x0], $0xffff  }
0x57: {  	v35 =	vadd.s32 s21, v10;
	v37 =	vadd.s32 s26, v5;
	[tilespmem:v53+s11+$0x0] =	vst.idx.msk $0xffff, v28;
	v21 =	vld.idx.msk [tilespmem:v57+s3+$0x0], $0xffff  }
0x58: {  	v34 =	vadd.s32 s19, v5;
	v38 =	vadd.s32 s22, v10;
	[tilespmem:v59+s11+$0x0] =	vst.idx.msk $0xffff, v15;
	v28 =	vld.idx.msk [tilespmem:v55+s3+$0x0], $0xffff  }
0x59: {  	v40 =	vadd.s32 s17, v7;
	v36 =	vadd.s32 s24, v10;
	v41 =	vld.idx.msk [tilespmem:v60+s3+$0x0], $0xffff;
	[tilespmem:v61+s11+$0x0] =	vst.idx.msk $0xffff, v16  }
0x5a: {  	v42 =	vadd.s32 s18, v7;
	v14 =	vld.idx.msk [tilespmem:v14+s3+$0x0], $0xffff;
	[tilespmem:v39+s11+$0x0] =	vst.idx.msk $0xffff, v20  }
0x5b: {  	v52 =	vadd.s32 s25, v6;
	v51 =	vld.idx.msk [tilespmem:v22+s3+$0x0], $0xffff;
	[tilespmem:v63+s11+$0x0] =	vst.idx.msk $0xffff, v62  }
0x5c: {  	v43 =	vadd.s32 s23, v6;
	v53 =	vadd.s32 s20, v11;
	[tilespmem:v37+s11+$0x0] =	vst.idx.msk $0xffff, v21;
	v17 =	vld.idx.msk [tilespmem:v35+s3+$0x0], $0xffff  }
0x5d: {  	v44 =	vadd.s32 s21, v11;
	v49 =	vadd.s32 s26, v6;
	[tilespmem:v34+s11+$0x0] =	vst.idx.msk $0xffff, v28;
	v48 =	vld.idx.msk [tilespmem:v38+s3+$0x0], $0xffff  }
0x5e: {  	v46 =	vadd.s32 s19, v6;
	v50 =	vadd.s32 s22, v11;
	[tilespmem:v40+s11+$0x0] =	vst.idx.msk $0xffff, v41;
	v45 =	vld.idx.msk [tilespmem:v36+s3+$0x0], $0xffff  }
0x5f: {  	v47 =	vadd.s32 s24, v11;
	v12 =	vld.idx.msk [tilespmem:v12+s3+$0x0], $0xffff;
	v54 =	vadd.s32 s14, v7;
	[tilespmem:v42+s11+$0x0] =	vst.idx.msk $0xffff, v14  }
0x60: {  	v13 =	vld.idx.msk [tilespmem:v13+s3+$0x0], $0xffff;
	v55 =	vadd.s32 s13, v7;
	[tilespmem:v52+s11+$0x0] =	vst.idx.msk $0xffff, v51  }
0x61: {  	v62 =	vadd.s32 s25, v7;
	v63 =	vld.idx.msk [tilespmem:v53+s3+$0x0], $0xffff;
	[tilespmem:v43+s11+$0x0] =	vst.idx.msk $0xffff, v17  }
0x62: {  	v57 =	vadd.s32 s23, v7;
	[tilespmem:v49+s11+$0x0] =	vst.idx.msk $0xffff, v48;
	v56 =	vld.idx.msk [tilespmem:v44+s3+$0x0], $0xffff  }
0x63: {  	v60 =	vadd.s32 s26, v7;
	[tilespmem:v46+s11+$0x0] =	vst.idx.msk $0xffff, v45;
	v61 =	vld.idx.msk [tilespmem:v50+s3+$0x0], $0xffff  }
0x64: {  	v58 =	vadd.s32 s19, v7;
	[tilespmem:v54+s11+$0x0] =	vst.idx.msk $0xffff, v12;
	v59 =	vld.idx.msk [tilespmem:v47+s3+$0x0], $0xffff  }
0x65: {  	[tilespmem:v55+s11+$0x0] =	vst.idx.msk $0xffff, v13  }
0x66: {  	[tilespmem:v62+s11+$0x0] =	vst.idx.msk $0xffff, v63  }
0x67: {  	[tilespmem:v57+s11+$0x0] =	vst.idx.msk $0xffff, v56  }
0x68: {  	[tilespmem:v60+s11+$0x0] =	vst.idx.msk $0xffff, v61  }
0x69: {  	s13 =	smov.u32 s9;
	[tilespmem:v58+s11+$0x0] =	vst.idx.msk $0xffff, v59  }
.LBB2_4:
0x6a: {  	v12 =	vadd.s32 s13, v8;
	_ =	sdelay $0x4  }
0x6b: {  	v13 =	vadd.s32 s16, v1;
	v12 =	vld.idx.msk [tilespmem:v12+s3+$0x0], $0xffff  }
0x6c: {  	v14 =	vadd.s32 s13, v9;
	_ =	sdelay $0x3  }
0x6d: {  	[tilespmem:v13+s11+$0x0] =	vst.idx.msk $0xffff, v12  }
0x6e: {  	v59 =	vadd.s32 s16, v5;
	v12 =	vld.idx.msk [tilespmem:v14+s3+$0x0], $0xffff  }
0x6f: {  	v60 =	vadd.s32 s13, v10;
	_ =	sdelay $0x3  }
0x70: {  	[tilespmem:v59+s11+$0x0] =	vst.idx.msk $0xffff, v12  }
0x71: {  	v61 =	vadd.s32 s16, v6;
	v12 =	vld.idx.msk [tilespmem:v60+s3+$0x0], $0xffff  }
0x72: {  	v62 =	vadd.s32 s13, v11;
	_ =	sdelay $0x3  }
0x73: {  	[tilespmem:v61+s11+$0x0] =	vst.idx.msk $0xffff, v12  }
0x74: {  	v63 =	vadd.s32 s16, v7;
	p0 =	sne.s32 s16, $0x1C1;
	v12 =	vld.idx.msk [tilespmem:v62+s3+$0x0], $0xffff  }
.Ltmp1:
0x75: {  	_ = 	snop;
	(pc) =	sbr.rel @p0 .LBB2_4-.Ltmp1, $2  }
0x76: {  	_ =	sdelay $0x2  }
0x77: {  	s13 =	sadd.s32 $0x5B, s13;
	s16 =	sadd.s32 $0x1, s16;
	[tilespmem:v63+s11+$0x0] =	vst.idx.msk $0xffff, v12  }
0x78: {  	s12 =	sadd.s32 $0x1, s12  }
0x79: {  	p0 =	sne.s32 s12, s7  }
.Ltmp2:
0x7a: {  	_ = 	snop;
	(pc) =	sbr.rel @p0 .LBB2_1-.Ltmp2, $4  }
0x7b: {  	[hbm4b:s6+s3] =	stream.linear.scatter [tilespmem:s11], [sflag:$0x1], $0x7080, $0x38;
	[tilespmem:$0x11400] =	vst v63  }
0x7c: {  	_ =	swait.ge [sflag:s4], $0x7080  }
0x7d: {  	[sflag:s4] =	ssyncset.done $0x0  }
0x7e: {  	[sflag:s4] =	ssyncadd.s32 $0xFFFF8F80  }
0x7f: {  	_ =	sfence.sel $0x180000  }
0x80: {  	[bflag:$0x0] =	sbarrier.arrive $0xFFFF  }
0x81: {  	p0 =	sne.s32 s0, $0x0;
	_ =	strace $0x90000047  }
0x82: {  	s0 =	sadd.s32 @!p0 $0x100000, s1;
	[bflag:$0x2] =	sbarrier.arrive $0xFFFF  }
0x83: {  	[sflag:s0] =	ssyncadd.tile.s32 @!p0 $0x1;
	_ =	shalt  }
.Lfunc_end2:
_tile_overlayer_lowered:
.L_overlay_start_2:
0x84: {  	(tag) =	ssettag $0x2  }
0x85: {  	s0 =	rddreg [dreg:$0x0];
	s2 =	stileid.u32  }
0x86: {  	s1 =	rddreg [dreg:$0x1];
	p0 =	sne.s32 s2, $0x0  }
0x87: {  	s3 =	rddreg [dreg:$0x2];
	[bflag:$0x3] =	sbarrier.arrive $0xFFFF;
	s2 =	simm.s32 @!p0 $0x1C01  }
0x88: {  	[timem:s3], [sflag:s2] =	dma.local @!p0 [hbm:s0], s1  }
0x89: {  	s0 =	simm.s32 @!p0 $0x1  }
0x8a: {  	_ =	swait.ge @!p0 [sflag:s0], s1  }
0x8b: {  	s1 =	ssub.s32 @!p0 $0x0, s1;
	[sflag:s0] =	ssyncset.done @!p0 $0x0  }
0x8c: {  	[sflag:s0] =	ssyncadd.s32 @!p0 s1  }
0x8d: {  	[bflag:$0x3] =	sbarrier.arrive $0xFFFF  }
0x8e: {  	_ =	shalt  }

</sc_bundles>
